<compile_context>
chip_gen: v7x
topology: tpu7x:2x2x1
jax: 0.10.2.dev20260603
libtpu: 0.0.44.dev20260713+nightly
codegen_flags: <defaults>
</compile_context>

<pallas_src>
import functools

import jax
import jax.numpy as jnp
from jax import lax
from jax.experimental import pallas as pl
from jax.experimental.pallas import tpu as pltpu
from jax.experimental.pallas import tpu_sc as plsc

B = 1024
L = 200
DK = 128
DM = 768
ROWS = B * L
CHUNK = 128
PAD_ID = 0
RB = 8


def _sc_gather(table, idx_flat, nc, ns):
    nw = nc * ns
    rows_per_w = ROWS // nw
    nchunk = rows_per_w // CHUNK
    mesh = plsc.VectorSubcoreMesh(core_axis_name="c", subcore_axis_name="s")

    @functools.partial(
        pl.kernel,
        mesh=mesh,
        out_type=jax.ShapeDtypeStruct((ROWS, DK), jnp.float32),
        scratch_types=[
            pltpu.VMEM((rows_per_w,), jnp.int32),
            pltpu.VMEM((CHUNK, DK), jnp.float32),
            pltpu.SemaphoreType.DMA,
        ],
    )
    def gather_kernel(table_hbm, idx_hbm, out_hbm, idx_v, rows_v, sem):
        wid = lax.axis_index("s") * nc + lax.axis_index("c")
        pltpu.sync_copy(idx_hbm.at[pl.ds(wid * rows_per_w, rows_per_w)], idx_v)

        def step(j, carry):
            pltpu.async_copy(
                table_hbm.at[idx_v.at[pl.ds(j * CHUNK, CHUNK)]], rows_v, sem
            ).wait()
            pltpu.sync_copy(
                rows_v, out_hbm.at[pl.ds(wid * rows_per_w + j * CHUNK, CHUNK)]
            )
            return carry

        lax.fori_loop(0, nchunk, step, 0)

    return gather_kernel(table, idx_flat)


def _proj_body(pos_ref, wp_ref, segp_ref, ws_ref, bt_ref, bp_ref, bs_ref,
               posproj_ref, segproj_ref):
    bsum = bt_ref[...] + bp_ref[...] + bs_ref[...]
    posproj_ref[...] = (
        jnp.dot(pos_ref[...], wp_ref[...], preferred_element_type=jnp.float32)
        + bsum
    )
    segproj_ref[...] = jnp.dot(
        segp_ref[...], ws_ref[...], preferred_element_type=jnp.float32
    )


def _main_body(gath_ref, txt_ref, seg_ref, wt_ref, posproj_ref, segproj_ref,
               out_ref):
    g = gath_ref[...]
    mask = (txt_ref[...] != PAD_ID).astype(jnp.float32)
    g = g * mask[..., None]
    acc = jnp.dot(
        g.reshape(RB * L, DK), wt_ref[...], preferred_element_type=jnp.float32
    ).reshape(RB, L, DM)
    acc = acc + posproj_ref[...][None]
    s = seg_ref[...]
    sp1 = segproj_ref[1:2, :][None]
    sp2 = segproj_ref[2:3, :][None]
    acc = acc + (s == 1).astype(jnp.float32)[..., None] * sp1
    acc = acc + (s == 2).astype(jnp.float32)[..., None] * sp2
    out_ref[...] = acc


def kernel(txt, seg, tok_table, pos_table, seg_table, Wt, bt, Wp, bp, Ws, bs):
    info = plsc.get_sparse_core_info()
    nc, ns = info.num_cores, info.num_subcores
    nw = nc * ns

    idx_flat = txt.reshape(ROWS)
    gathered = _sc_gather(tok_table, idx_flat, nc, ns)
    gath3 = gathered.reshape(B, L, DK)

    seg_pad = jnp.zeros((8, DK), jnp.float32).at[:3].set(seg_table)
    posproj, segproj = pl.pallas_call(
        _proj_body,
        out_shape=(
            jax.ShapeDtypeStruct((L, DM), jnp.float32),
            jax.ShapeDtypeStruct((8, DM), jnp.float32),
        ),
    )(pos_table, Wp, seg_pad, Ws,
      bt.reshape(1, DM), bp.reshape(1, DM), bs.reshape(1, DM))

    out = pl.pallas_call(
        _main_body,
        grid=(B // RB,),
        in_specs=[
            pl.BlockSpec((RB, L, DK), lambda i: (i, 0, 0)),
            pl.BlockSpec((RB, L), lambda i: (i, 0)),
            pl.BlockSpec((RB, L), lambda i: (i, 0)),
            pl.BlockSpec((DK, DM), lambda i: (0, 0)),
            pl.BlockSpec((L, DM), lambda i: (0, 0)),
            pl.BlockSpec((8, DM), lambda i: (0, 0)),
        ],
        out_specs=pl.BlockSpec((RB, L, DM), lambda i: (i, 0, 0)),
        out_shape=jax.ShapeDtypeStruct((B, L, DM), jnp.float32),
        compiler_params=pltpu.CompilerParams(
            dimension_semantics=("parallel",),
        ),
    )(gath3, txt, seg, Wt, posproj, segproj)
    return out

# --- scband reference (transcript-rebuilt; emitter-appended) ---
"""Pipeline reference for scband-input-embedding-68882685493446 (READ-ONLY COPY).

The authoritative reference and input builder live on the scoring server;
editing this copy changes nothing except your own understanding.
"""

import jax, jax.numpy as jnp
import numpy as np

VOCAB = 1000000
SEQ_LEN = 200
D_MODEL = 768
PAD_ID = 0
DK = D_MODEL // 6  # 128
B = 1024
L = 200


def setup_inputs(seed: int = 0) -> dict:
    key = jax.random.key(seed)
    ks = jax.random.split(key, 12)
    txt = jax.random.randint(ks[0], (B, L), 0, VOCAB, dtype=jnp.int64 if jax.config.jax_enable_x64 else jnp.int32).astype(jnp.int32)
    seg = jax.random.randint(ks[1], (B, L), 0, 3).astype(jnp.int32)
    tok_table = (jax.random.normal(ks[2], (VOCAB, DK), jnp.float32) * 0.02).at[PAD_ID].set(0.0)
    pos_table = jax.random.normal(ks[3], (SEQ_LEN, DK), jnp.float32) * 0.02
    seg_table = (jax.random.normal(ks[4], (3, DK), jnp.float32) * 0.02).at[PAD_ID].set(0.0)
    Wt = jax.random.normal(ks[5], (DK, D_MODEL), jnp.float32) * 0.02
    bt = jnp.zeros((D_MODEL,), jnp.float32)
    Wp = jax.random.normal(ks[6], (DK, D_MODEL), jnp.float32) * 0.02
    bp = jnp.zeros((D_MODEL,), jnp.float32)
    Ws = jax.random.normal(ks[7], (DK, D_MODEL), jnp.float32) * 0.02
    bs = jnp.zeros((D_MODEL,), jnp.float32)
    return {"txt": txt, "seg": seg, "tok_table": tok_table, "pos_table": pos_table,
            "seg_table": seg_table, "Wt": Wt, "bt": bt, "Wp": Wp, "bp": bp, "Ws": Ws, "bs": bs}


def reference(txt, seg, tok_table, pos_table, seg_table, Wt, bt, Wp, bp, Ws, bs):
    # tok_emb gather with padding_idx semantics (row PAD_ID is zero)
    emb = jnp.take(tok_table, txt, axis=0)
    emb = jnp.where((txt != PAD_ID)[..., None], emb, 0.0)
    # positional ids: arange(L) repeated over batch
    pos_ids = jnp.broadcast_to(jnp.arange(txt.shape[1])[None, :], txt.shape)
    pos = jnp.take(pos_table, pos_ids, axis=0)
    # segment embedding with padding_idx semantics
    sge = jnp.take(seg_table, seg, axis=0)
    sge = jnp.where((seg != PAD_ID)[..., None], sge, 0.0)
    summed = (emb @ Wt + bt) + (pos @ Wp + bp) + (sge @ Ws + bs)
    # dropout is identity in eval mode
    return summed

if __name__ == "__main__":
    import jax
    _d = setup_inputs()
    print(jax.jit(kernel)(*tuple(_d.values())))

</pallas_src>

<mosaic_0001>
#map = affine_map<(d0, d1) -> (0, 0)>
#map1 = affine_map<(d0, d1) -> (0)>
module attributes {stable_mosaic.version = 14 : i64} {
  func.func @gather_kernel(%arg0: i32, %arg1: i32, %arg2: memref<1000000x128xf32, #tpu.memory_space<hbm>>, %arg3: memref<204800xi32, #tpu.memory_space<hbm>>, %arg4: memref<204800x128xf32, #tpu.memory_space<hbm>>, %arg5: memref<6400xi32, #tpu.memory_space<vmem>>, %arg6: memref<128x128xf32, #tpu.memory_space<vmem>>, %arg7: memref<!tpu.dma_semaphore, #tpu.memory_space<semaphore_mem>>) attributes {dimension_semantics = [#tpu.dimension_semantics<core_parallel>, #tpu.dimension_semantics<subcore_parallel>], iteration_bounds = array<i64: 2, 16>, scalar_prefetch = 0 : i64, scratch_operands = 3 : i64, tpu.core_type = #tpu.core_type<sc_vector_subcore>, window_params = [{transform_indices = #map}, {transform_indices = #map1}, {transform_indices = #map}]} {
    %mul3A = arith.constant 2 : i32
    %mul3A_0 = arith.muli %arg1, %mul3A : i32
    %add3A = arith.addi %mul3A_0, %arg0 : i32
    %mul3A_1 = arith.constant 6400 : i32
    %mul3A_2 = arith.muli %add3A, %mul3A_1 : i32
    "tpu.region"() ({
      %run_scoped3A = tpu.sem_alloc : memref<!tpu.dma_semaphore, #tpu.memory_space<semaphore_mem>>
      %dma_start3A = tpu.memref_slice %arg3[%mul3A_2] : memref<204800xi32, #tpu.memory_space<hbm>> -> memref<6400xi32, #tpu.memory_space<hbm>>
      %dma_start3A_8 = tpu.memref_slice %arg3[%mul3A_2] : memref<204800xi32, #tpu.memory_space<hbm>> -> memref<6400xi32, #tpu.memory_space<hbm>>
      tpu.enqueue_dma source(%dma_start3A_8 : memref<6400xi32, #tpu.memory_space<hbm>>) target(%arg5 : memref<6400xi32, #tpu.memory_space<vmem>>) target_semaphore(%run_scoped3A : memref<!tpu.dma_semaphore, #tpu.memory_space<semaphore_mem>>)
      %dma_wait3A = tpu.memref_slice %arg3[%mul3A_2] : memref<204800xi32, #tpu.memory_space<hbm>> -> memref<6400xi32, #tpu.memory_space<hbm>>
      %dma_wait3A_9 = tpu.memref_slice %arg3[%mul3A_2] : memref<204800xi32, #tpu.memory_space<hbm>> -> memref<6400xi32, #tpu.memory_space<hbm>>
      tpu.wait_dma2 semaphore(%run_scoped3A : memref<!tpu.dma_semaphore, #tpu.memory_space<semaphore_mem>>) src(%dma_wait3A_9 : memref<6400xi32, #tpu.memory_space<hbm>>) dst(%arg5 : memref<6400xi32, #tpu.memory_space<vmem>>)
      tpu.yield
    }) : () -> ()
    %scan3A = arith.constant 0 : i32
    %scan3A_3 = arith.constant 0 : i32
    %scan3A_4 = arith.constant 50 : i32
    %scan3A_5 = arith.addi %scan3A_3, %scan3A_4 : i32
    %scan3A_6 = arith.constant 1 : i32
    scf.for %scan3A_8 = %scan3A_3 to %scan3A_5 step %scan3A_6  : i32 {
      %mul3A_9 = arith.constant 128 : i32
      %mul3A_10 = arith.muli %scan3A_8, %mul3A_9 : i32
      %dma_start3A = tpu.memref_slice %arg5[%mul3A_10] : memref<6400xi32, #tpu.memory_space<vmem>> -> memref<128xi32, #tpu.memory_space<vmem>>
      %dma_start3A_11 = arith.constant 0 : i32
      %dma_start3A_12 = arith.constant 0 : i32
      %dma_start3A_13 = tpu.memref_slice %arg2[%dma_start3A_11, %dma_start3A_12] : memref<1000000x128xf32, #tpu.memory_space<hbm>> -> memref<1000000x128xf32, #tpu.memory_space<hbm>>
      tpu.enqueue_indirect_dma source(%dma_start3A_13 : memref<1000000x128xf32, #tpu.memory_space<hbm>>) target(%arg6 : memref<128x128xf32, #tpu.memory_space<vmem>>) offsets(%dma_start3A : memref<128xi32, #tpu.memory_space<vmem>>) semaphore(%arg7 : memref<!tpu.dma_semaphore, #tpu.memory_space<semaphore_mem>>)
      %dma_wait3A = tpu.memref_slice %arg5[%mul3A_10] : memref<6400xi32, #tpu.memory_space<vmem>> -> memref<128xi32, #tpu.memory_space<vmem>>
      %dma_wait3A_14 = arith.constant 0 : i32
      %dma_wait3A_15 = arith.constant 0 : i32
      %dma_wait3A_16 = tpu.memref_slice %arg2[%dma_wait3A_14, %dma_wait3A_15] : memref<1000000x128xf32, #tpu.memory_space<hbm>> -> memref<1000000x128xf32, #tpu.memory_space<hbm>>
      tpu.wait_indirect_dma semaphore(%arg7 : memref<!tpu.dma_semaphore, #tpu.memory_space<semaphore_mem>>) src(%dma_wait3A_16 : memref<1000000x128xf32, #tpu.memory_space<hbm>>) dst(%arg6 : memref<128x128xf32, #tpu.memory_space<vmem>>)
      %mul3A_17 = arith.constant 6400 : i32
      %mul3A_18 = arith.muli %add3A, %mul3A_17 : i32
      %mul3A_19 = arith.constant 128 : i32
      %mul3A_20 = arith.muli %scan3A_8, %mul3A_19 : i32
      %add3A_21 = arith.addi %mul3A_18, %mul3A_20 : i32
      "tpu.region"() ({
        %run_scoped3A = tpu.sem_alloc : memref<!tpu.dma_semaphore, #tpu.memory_space<semaphore_mem>>
        %dma_start3A_22 = arith.constant 0 : i32
        %dma_start3A_23 = tpu.memref_slice %arg4[%add3A_21, %dma_start3A_22] : memref<204800x128xf32, #tpu.memory_space<hbm>> -> memref<128x128xf32, #tpu.memory_space<hbm>>
        %dma_start3A_24 = arith.constant 0 : i32
        %dma_start3A_25 = tpu.memref_slice %arg4[%add3A_21, %dma_start3A_24] : memref<204800x128xf32, #tpu.memory_space<hbm>> -> memref<128x128xf32, #tpu.memory_space<hbm>>
        tpu.enqueue_dma source(%arg6 : memref<128x128xf32, #tpu.memory_space<vmem>>) target(%dma_start3A_25 : memref<128x128xf32, #tpu.memory_space<hbm>>) target_semaphore(%run_scoped3A : memref<!tpu.dma_semaphore, #tpu.memory_space<semaphore_mem>>)
        %dma_wait3A_26 = arith.constant 0 : i32
        %dma_wait3A_27 = tpu.memref_slice %arg4[%add3A_21, %dma_wait3A_26] : memref<204800x128xf32, #tpu.memory_space<hbm>> -> memref<128x128xf32, #tpu.memory_space<hbm>>
        %dma_wait3A_28 = arith.constant 0 : i32
        %dma_wait3A_29 = tpu.memref_slice %arg4[%add3A_21, %dma_wait3A_28] : memref<204800x128xf32, #tpu.memory_space<hbm>> -> memref<128x128xf32, #tpu.memory_space<hbm>>
        tpu.wait_dma2 semaphore(%run_scoped3A : memref<!tpu.dma_semaphore, #tpu.memory_space<semaphore_mem>>) src(%arg6 : memref<128x128xf32, #tpu.memory_space<vmem>>) dst(%dma_wait3A_29 : memref<128x128xf32, #tpu.memory_space<hbm>>)
        tpu.yield
      }) : () -> ()
    }
    %scan3A_7 = arith.constant 50 : i32
    return
  }
}

module attributes {stable_mosaic.version = 14 : i64} {
  func.func @_proj_body(%arg0: memref<200x128xf32, #tpu.memory_space<vmem>>, %arg1: memref<128x768xf32, #tpu.memory_space<vmem>>, %arg2: memref<8x128xf32, #tpu.memory_space<vmem>>, %arg3: memref<128x768xf32, #tpu.memory_space<vmem>>, %arg4: memref<1x768xf32, #tpu.memory_space<vmem>>, %arg5: memref<1x768xf32, #tpu.memory_space<vmem>>, %arg6: memref<1x768xf32, #tpu.memory_space<vmem>>, %arg7: memref<200x768xf32, #tpu.memory_space<vmem>>, %arg8: memref<8x768xf32, #tpu.memory_space<vmem>>) attributes {dimension_semantics = [], scalar_prefetch = 0 : i64, scratch_operands = 0 : i64, tpu.core_type = #tpu.core_type<tc>} {
    %get3A = arith.constant 0 : index
    %get3A_0 = arith.constant 0 : index
    %get3A_1 = vector.load %arg4[%get3A, %get3A_0] : memref<1x768xf32, #tpu.memory_space<vmem>>, vector<1x768xf32>
    %get3A_2 = arith.constant 0 : index
    %get3A_3 = arith.constant 0 : index
    %get3A_4 = vector.load %arg5[%get3A_2, %get3A_3] : memref<1x768xf32, #tpu.memory_space<vmem>>, vector<1x768xf32>
    %add3A = arith.addf %get3A_1, %get3A_4 : vector<1x768xf32>
    %get3A_5 = arith.constant 0 : index
    %get3A_6 = arith.constant 0 : index
    %get3A_7 = vector.load %arg6[%get3A_5, %get3A_6] : memref<1x768xf32, #tpu.memory_space<vmem>>, vector<1x768xf32>
    %add3A_8 = arith.addf %add3A, %get3A_7 : vector<1x768xf32>
    %get3A_9 = arith.constant 0 : index
    %get3A_10 = arith.constant 0 : index
    %get3A_11 = vector.load %arg0[%get3A_9, %get3A_10] : memref<200x128xf32, #tpu.memory_space<vmem>>, vector<200x128xf32>
    %get3A_12 = arith.constant 0 : index
    %get3A_13 = arith.constant 0 : index
    %get3A_14 = vector.load %arg1[%get3A_12, %get3A_13] : memref<128x768xf32, #tpu.memory_space<vmem>>, vector<128x768xf32>
    %dot_general3A = arith.constant dense<0.000000e+00> : vector<200x768xf32>
    %dot_general3A_15 = tpu.matmul %get3A_11, %get3A_14, %dot_general3A {dimension_numbers = #tpu.dot_dimension_numbers<[1], [0], [0], [1], [0, 0, 1, 1], [], []>, transpose_lhs_hint = false} : vector<200x128xf32>, vector<128x768xf32>, vector<200x768xf32> -> vector<200x768xf32>
    %add3A_16 = vector.broadcast %add3A_8 : vector<1x768xf32> to vector<200x768xf32>
    %add3A_17 = arith.addf %dot_general3A_15, %add3A_16 : vector<200x768xf32>
    %swap3A = arith.constant 0 : index
    %swap3A_18 = arith.constant 0 : index
    %swap3A_19 = vector.load %arg7[%swap3A, %swap3A_18] : memref<200x768xf32, #tpu.memory_space<vmem>>, vector<200x768xf32>
    tpu.vector_store %arg7[%swap3A, %swap3A_18], %add3A_17 {strides = array<i32>} : memref<200x768xf32, #tpu.memory_space<vmem>>, vector<200x768xf32>,
    %get3A_20 = arith.constant 0 : index
    %get3A_21 = arith.constant 0 : index
    %get3A_22 = vector.load %arg2[%get3A_20, %get3A_21] : memref<8x128xf32, #tpu.memory_space<vmem>>, vector<8x128xf32>
    %get3A_23 = arith.constant 0 : index
    %get3A_24 = arith.constant 0 : index
    %get3A_25 = vector.load %arg3[%get3A_23, %get3A_24] : memref<128x768xf32, #tpu.memory_space<vmem>>, vector<128x768xf32>
    %dot_general3A_26 = arith.constant dense<0.000000e+00> : vector<8x768xf32>
    %dot_general3A_27 = tpu.matmul %get3A_22, %get3A_25, %dot_general3A_26 {dimension_numbers = #tpu.dot_dimension_numbers<[1], [0], [0], [1], [0, 0, 1, 1], [], []>, transpose_lhs_hint = false} : vector<8x128xf32>, vector<128x768xf32>, vector<8x768xf32> -> vector<8x768xf32>
    %swap3A_28 = arith.constant 0 : index
    %swap3A_29 = arith.constant 0 : index
    %swap3A_30 = vector.load %arg8[%swap3A_28, %swap3A_29] : memref<8x768xf32, #tpu.memory_space<vmem>>, vector<8x768xf32>
    tpu.vector_store %arg8[%swap3A_28, %swap3A_29], %dot_general3A_27 {strides = array<i32>} : memref<8x768xf32, #tpu.memory_space<vmem>>, vector<8x768xf32>,
    return
  }
}

module attributes {stable_mosaic.version = 14 : i64} {
  func.func @_main_body(%arg0: i32, %arg1: memref<8x200x128xf32, #tpu.memory_space<vmem>>, %arg2: memref<8x200xi32, #tpu.memory_space<vmem>>, %arg3: memref<8x200xi32, #tpu.memory_space<vmem>>, %arg4: memref<128x768xf32, #tpu.memory_space<vmem>>, %arg5: memref<200x768xf32, #tpu.memory_space<vmem>>, %arg6: memref<8x768xf32, #tpu.memory_space<vmem>>, %arg7: memref<8x200x768xf32, #tpu.memory_space<vmem>>) attributes {dimension_semantics = [#tpu.dimension_semantics<parallel>], iteration_bounds = array<i64: 128>, scalar_prefetch = 0 : i64, scratch_operands = 0 : i64, tpu.core_type = #tpu.core_type<tc>, window_params = [{transform_indices = @transform_0, window_bounds = array<i64: 8, 200, 128>}, {transform_indices = @transform_1, window_bounds = array<i64: 8, 200>}, {transform_indices = @transform_2, window_bounds = array<i64: 8, 200>}, {pipeline_mode = #tpu.pipeline_mode<synchronous>, transform_indices = @transform_3, window_bounds = array<i64: 128, 768>}, {pipeline_mode = #tpu.pipeline_mode<synchronous>, transform_indices = @transform_4, window_bounds = array<i64: 200, 768>}, {pipeline_mode = #tpu.pipeline_mode<synchronous>, transform_indices = @transform_5, window_bounds = array<i64: 8, 768>}, {transform_indices = @transform_6, window_bounds = array<i64: 8, 200, 768>}]} {
    %get3A = arith.constant 0 : index
    %get3A_0 = arith.constant 0 : index
    %get3A_1 = arith.constant 0 : index
    %get3A_2 = vector.load %arg1[%get3A, %get3A_0, %get3A_1] : memref<8x200x128xf32, #tpu.memory_space<vmem>>, vector<8x200x128xf32>
    %get3A_3 = arith.constant 0 : index
    %get3A_4 = arith.constant 0 : index
    %get3A_5 = vector.load %arg2[%get3A_3, %get3A_4] : memref<8x200xi32, #tpu.memory_space<vmem>>, vector<8x200xi32>
    %ne3A = arith.constant 0 : i32
    %ne3A_6 = vector.broadcast %ne3A : i32 to vector<8x200xi32>
    %ne3A_7 = arith.cmpi ne, %get3A_5, %ne3A_6 : vector<8x200xi32>
    %convert_element_type3A = arith.extui %ne3A_7 : vector<8x200xi1> to vector<8x200xi32>
    %convert_element_type3A_8 = arith.sitofp %convert_element_type3A : vector<8x200xi32> to vector<8x200xf32>
    %broadcast_in_dim3A = vector.shape_cast %convert_element_type3A_8 : vector<8x200xf32> to vector<8x200x1xf32>
    %mul3A = vector.broadcast %broadcast_in_dim3A : vector<8x200x1xf32> to vector<8x200x128xf32>
    %mul3A_9 = arith.mulf %get3A_2, %mul3A : vector<8x200x128xf32>
    %reshape3A = vector.shape_cast %mul3A_9 : vector<8x200x128xf32> to vector<1600x128xf32>
    %get3A_10 = arith.constant 0 : index
    %get3A_11 = arith.constant 0 : index
    %get3A_12 = vector.load %arg4[%get3A_10, %get3A_11] : memref<128x768xf32, #tpu.memory_space<vmem>>, vector<128x768xf32>
    %dot_general3A = arith.constant dense<0.000000e+00> : vector<1600x768xf32>
    %dot_general3A_13 = tpu.matmul %reshape3A, %get3A_12, %dot_general3A {dimension_numbers = #tpu.dot_dimension_numbers<[1], [0], [0], [1], [0, 0, 1, 1], [], []>, transpose_lhs_hint = false} : vector<1600x128xf32>, vector<128x768xf32>, vector<1600x768xf32> -> vector<1600x768xf32>
    %reshape3A_14 = vector.shape_cast %dot_general3A_13 : vector<1600x768xf32> to vector<8x200x768xf32>
    %get3A_15 = arith.constant 0 : index
    %get3A_16 = arith.constant 0 : index
    %get3A_17 = vector.load %arg5[%get3A_15, %get3A_16] : memref<200x768xf32, #tpu.memory_space<vmem>>, vector<200x768xf32>
    %broadcast_in_dim3A_18 = vector.shape_cast %get3A_17 : vector<200x768xf32> to vector<1x200x768xf32>
    %add3A = vector.broadcast %broadcast_in_dim3A_18 : vector<1x200x768xf32> to vector<8x200x768xf32>
    %add3A_19 = arith.addf %reshape3A_14, %add3A : vector<8x200x768xf32>
    %get3A_20 = arith.constant 0 : index
    %get3A_21 = arith.constant 0 : index
    %get3A_22 = vector.load %arg3[%get3A_20, %get3A_21] : memref<8x200xi32, #tpu.memory_space<vmem>>, vector<8x200xi32>
    %get3A_23 = arith.constant 1 : index
    %get3A_24 = arith.constant 0 : index
    %get3A_25 = vector.load %arg6[%get3A_23, %get3A_24] : memref<8x768xf32, #tpu.memory_space<vmem>>, vector<1x768xf32>
    %broadcast_in_dim3A_26 = vector.shape_cast %get3A_25 : vector<1x768xf32> to vector<1x1x768xf32>
    %get3A_27 = arith.constant 2 : index
    %get3A_28 = arith.constant 0 : index
    %get3A_29 = vector.load %arg6[%get3A_27, %get3A_28] : memref<8x768xf32, #tpu.memory_space<vmem>>, vector<1x768xf32>
    %broadcast_in_dim3A_30 = vector.shape_cast %get3A_29 : vector<1x768xf32> to vector<1x1x768xf32>
    %eq3A = arith.constant 1 : i32
    %eq3A_31 = vector.broadcast %eq3A : i32 to vector<8x200xi32>
    %eq3A_32 = arith.cmpi eq, %get3A_22, %eq3A_31 : vector<8x200xi32>
    %convert_element_type3A_33 = arith.extui %eq3A_32 : vector<8x200xi1> to vector<8x200xi32>
    %convert_element_type3A_34 = arith.sitofp %convert_element_type3A_33 : vector<8x200xi32> to vector<8x200xf32>
    %broadcast_in_dim3A_35 = vector.shape_cast %convert_element_type3A_34 : vector<8x200xf32> to vector<8x200x1xf32>
    %mul3A_36 = vector.broadcast %broadcast_in_dim3A_35 : vector<8x200x1xf32> to vector<8x200x768xf32>
    %mul3A_37 = vector.broadcast %broadcast_in_dim3A_26 : vector<1x1x768xf32> to vector<8x200x768xf32>
    %mul3A_38 = arith.mulf %mul3A_36, %mul3A_37 : vector<8x200x768xf32>
    %add3A_39 = arith.addf %add3A_19, %mul3A_38 : vector<8x200x768xf32>
    %eq3A_40 = arith.constant 2 : i32
    %eq3A_41 = vector.broadcast %eq3A_40 : i32 to vector<8x200xi32>
    %eq3A_42 = arith.cmpi eq, %get3A_22, %eq3A_41 : vector<8x200xi32>
    %convert_element_type3A_43 = arith.extui %eq3A_42 : vector<8x200xi1> to vector<8x200xi32>
    %convert_element_type3A_44 = arith.sitofp %convert_element_type3A_43 : vector<8x200xi32> to vector<8x200xf32>
    %broadcast_in_dim3A_45 = vector.shape_cast %convert_element_type3A_44 : vector<8x200xf32> to vector<8x200x1xf32>
    %mul3A_46 = vector.broadcast %broadcast_in_dim3A_45 : vector<8x200x1xf32> to vector<8x200x768xf32>
    %mul3A_47 = vector.broadcast %broadcast_in_dim3A_30 : vector<1x1x768xf32> to vector<8x200x768xf32>
    %mul3A_48 = arith.mulf %mul3A_46, %mul3A_47 : vector<8x200x768xf32>
    %add3A_49 = arith.addf %add3A_39, %mul3A_48 : vector<8x200x768xf32>
    %swap3A = arith.constant 0 : index
    %swap3A_50 = arith.constant 0 : index
    %swap3A_51 = arith.constant 0 : index
    %swap3A_52 = vector.load %arg7[%swap3A, %swap3A_50, %swap3A_51] : memref<8x200x768xf32, #tpu.memory_space<vmem>>, vector<8x200x768xf32>
    tpu.vector_store %arg7[%swap3A, %swap3A_50, %swap3A_51], %add3A_49 {strides = array<i32>} : memref<8x200x768xf32, #tpu.memory_space<vmem>>, vector<8x200x768xf32>,
    return
  }
  func.func @transform_0(%arg0: i32) -> (i32, i32, i32) {
    %c0_i32 = arith.constant 0 : i32
    %c0_i32_0 = arith.constant 0 : i32
    %c0_i32_1 = arith.constant 0 : i32
    return %arg0, %c0_i32, %c0_i32_0 : i32, i32, i32
  }
  func.func @transform_1(%arg0: i32) -> (i32, i32) {
    %c0_i32 = arith.constant 0 : i32
    %c0_i32_0 = arith.constant 0 : i32
    return %arg0, %c0_i32 : i32, i32
  }
  func.func @transform_2(%arg0: i32) -> (i32, i32) {
    %c0_i32 = arith.constant 0 : i32
    %c0_i32_0 = arith.constant 0 : i32
    return %arg0, %c0_i32 : i32, i32
  }
  func.func @transform_3(%arg0: i32) -> (i32, i32) {
    %c0_i32 = arith.constant 0 : i32
    %c0_i32_0 = arith.constant 0 : i32
    %c0_i32_1 = arith.constant 0 : i32
    return %c0_i32, %c0_i32_0 : i32, i32
  }
  func.func @transform_4(%arg0: i32) -> (i32, i32) {
    %c0_i32 = arith.constant 0 : i32
    %c0_i32_0 = arith.constant 0 : i32
    %c0_i32_1 = arith.constant 0 : i32
    return %c0_i32, %c0_i32_0 : i32, i32
  }
  func.func @transform_5(%arg0: i32) -> (i32, i32) {
    %c0_i32 = arith.constant 0 : i32
    %c0_i32_0 = arith.constant 0 : i32
    %c0_i32_1 = arith.constant 0 : i32
    return %c0_i32, %c0_i32_0 : i32, i32
  }
  func.func @transform_6(%arg0: i32) -> (i32, i32, i32) {
    %c0_i32 = arith.constant 0 : i32
    %c0_i32_0 = arith.constant 0 : i32
    %c0_i32_1 = arith.constant 0 : i32
    return %arg0, %c0_i32, %c0_i32_0 : i32, i32, i32
  }
}

</mosaic_0001>

<sc_bundles>
// kernel: kernel.5.cloned.1.call-start
scs
__scs_entry_jumppad:
0x0: {  	(pc) =	sbr.rel $0x88, $3  }
0x1: {  	(tag) =	ssettag $0x0;
	lr =	simm.s32 $0x1  }
0x2: {  	[smem:$0x3F96] =	sst lr;
	_ =	strace $0xD0000000  }
0x3: {  	_ = 	snop  }
0x4: {  	_ = 	snop  }
0x5: {  	_ = 	snop  }
0x6: {  	_ = 	snop  }
0x7: {  	_ = 	snop  }
__scs_overlays_trampoline_lowered:
0x8: {  	[smem:$0x3FA5] =	sst s0  }
0x9: {  	[smem:$0x3FA6] =	sst s1  }
0xa: {  	[smem:$0x3FA7] =	sst s2  }
0xb: {  	[smem:$0x3FA8] =	sst s3  }
0xc: {  	[smem:$0x3FA9] =	sst s4  }
0xd: {  	[smem:$0x3FAA] =	sst s5  }
0xe: {  	[smem:$0x3FAB] =	sst s6  }
0xf: {  	[smem:$0x3FAC] =	sst s7  }
0x10: {  	[smem:$0x3FAD] =	sst s8  }
0x11: {  	[smem:$0x3FAE] =	sst s9;
	s0 =	simm.s32 @!p0 $0x0  }
0x12: {  	s1 =	sld [smem:$0x3F94];
	s0 =	simm.s32 @p0 $0x1  }
0x13: {  	[smem:$0x3FAF] =	sst s0;
	s0 =	simm.s32 @!p1 $0x0  }
0x14: {  	s2 =	sld [smem:$0x3F93];
	s0 =	simm.s32 @p1 $0x1  }
0x15: {  	[smem:$0x3FB0] =	sst s0;
	s0 =	simm.s32 @!p2 $0x0  }
0x16: {  	s3 =	sld [smem:$0x3FDB];
	s0 =	simm.s32 @p2 $0x1  }
0x17: {  	s4 =	simm.s32 $0x1BF5;
	[smem:$0x3FB2] =	sst s0  }
0x18: {  	s0 =	sld [smem:$0x3F95];
	_ =	swait.ge [sflag:s4], $0x0  }
0x19: {  	s7 =	sld [smem:$0x3F96]  }
0x1a: {  	s8 =	sadd.s32 $0xFFFFE003, lr  }
0x1b: {  	s9 =	sadd.s32 $0xFFFFFEF7, lr;
	s5 =	simm.s32 $0xFFFFFFFF;
	p2 =	slt.u32 s8, $0xFFFFF086  }
0x1c: {  	p1 =	slt.u32 s9, $0xF7A;
	s5 =	simm.s32 @!p2 $0x0  }
0x1d: {  	s5 =	simm.s32 @p1 $0x1;
	p0 =	seq.s32 s7, s2  }
0x1e: {  	s7 =	smul.u32 @!p0 $0xF7A, s2;
	p2 =	seq.s32 @!p0 s5, $0x0  }
0x1f: {  	s9 =	smul.u32 $0xF7A, s1;
	s8 =	simm.s32 @!p0 $0x1BF5;
	p2 =	por !p2, p0  }
0x20: {  	[sflag:s8] =	ssyncset.s32 @!p0 $0xFFFFF086;
	s6 =	sadd.s32 @!p0 s3, s7;
	s7 =	simm.s32 @!p0 $0x108  }
0x21: {  	s3 =	sadd.s32 s3, s9;
	s6 =	sadd.s32 @!p0 $0x88, s6;
	s7 =	simm.s32 @p2 $0x1082  }
0x22: {  	[simem:s7], [sflag:s8] =	dma.local @!p0 [hbm:s6], $0xF7A  }
0x23: {  	s9 =	sor.u32 $0xD0000000, s2;
	s6 =	simm.s32 $0x108;
	_ =	swait.ge @!p0 [sflag:s8], $0x0  }
0x24: {  	s3 =	sadd.s32 $0x88, s3;
	s6 =	simm.s32 @!p1 $0x1082;
	[sflag:s4] =	ssyncset.s32 $0xFFFFF086  }
0x25: {  	[simem:s6], [sflag:s4] =	dma.local [hbm:s3], $0xF7A  }
0x26: {  	[smem:$0x3F96] =	sst s1;
	(tag) =	ssettag s2;
	_ =	strace s9  }
0x27: {  	s1 =	sld [smem:$0x3FA6]  }
0x28: {  	s2 =	sld [smem:$0x3FA7]  }
0x29: {  	s4 =	sld [smem:$0x3FA9]  }
0x2a: {  	p0 =	seq.s32 s5, $0x0;
	s5 =	sld [smem:$0x3FAA]  }
0x2b: {  	s6 =	sld [smem:$0x3FAB]  }
0x2c: {  	s7 =	sld [smem:$0x3FAC]  }
0x2d: {  	s3 =	simm.s32 $0x108;
	s8 =	sld [smem:$0x3FAD]  }
0x2e: {  	s3 =	simm.s32 @!p0 $0x1082;
	s9 =	sld [smem:$0x3FAE]  }
0x2f: {  	lr =	sadd.s32 s0, s3;
	s0 =	sld [smem:$0x3FA5]  }
0x30: {  	s3 =	sld [smem:$0x3FA8]  }
0x31: {  	[smem:$0x3FB1] =	sst s10  }
0x32: {  	s10 =	sld [smem:$0x3FAF];
	_ =	sdelay $0x3  }
0x33: {  	p0 =	seq.s32 s10, $0x1;
	s10 =	sld [smem:$0x3FB1];
	_ =	sdelay $0x3  }
0x34: {  	[smem:$0x3FB1] =	sst s10  }
0x35: {  	s10 =	sld [smem:$0x3FB0];
	_ =	sdelay $0x3  }
0x36: {  	p1 =	seq.s32 s10, $0x1;
	s10 =	sld [smem:$0x3FB1];
	_ =	sdelay $0x3  }
0x37: {  	[smem:$0x3FB1] =	sst s10  }
0x38: {  	s10 =	sld [smem:$0x3FB2]  }
0x39: {  	_ = 	snop;
	(pc) =	sbr.ind lr, $3  }
0x3a: {  	_ = 	snop  }
0x3b: {  	_ = 	snop  }
0x3c: {  	p2 =	seq.s32 s10, $0x1;
	s10 =	sld [smem:$0x3FB1]  }
0x3d: {  	_ =	shalt  }
0x3e: {  	_ =	shalt  }
0x3f: {  	_ =	shalt  }
0x40: {  	_ =	shalt  }
0x41: {  	_ =	shalt  }
0x42: {  	_ =	shalt  }
0x43: {  	_ =	shalt  }
0x44: {  	_ =	shalt  }
0x45: {  	_ =	shalt  }
0x46: {  	_ =	shalt  }
0x47: {  	_ =	shalt  }
0x48: {  	_ =	shalt  }
0x49: {  	_ =	shalt  }
0x4a: {  	_ =	shalt  }
0x4b: {  	_ =	shalt  }
0x4c: {  	_ =	shalt  }
0x4d: {  	_ =	shalt  }
0x4e: {  	_ =	shalt  }
0x4f: {  	_ =	shalt  }
0x50: {  	_ =	shalt  }
0x51: {  	_ =	shalt  }
0x52: {  	_ =	shalt  }
0x53: {  	_ =	shalt  }
0x54: {  	_ =	shalt  }
0x55: {  	_ =	shalt  }
0x56: {  	_ =	shalt  }
0x57: {  	_ =	shalt  }
0x58: {  	_ =	shalt  }
0x59: {  	_ =	shalt  }
0x5a: {  	_ =	shalt  }
0x5b: {  	_ =	shalt  }
0x5c: {  	_ =	shalt  }
0x5d: {  	_ =	shalt  }
0x5e: {  	_ =	shalt  }
0x5f: {  	_ =	shalt  }
0x60: {  	_ =	shalt  }
0x61: {  	_ =	shalt  }
0x62: {  	_ =	shalt  }
0x63: {  	_ =	shalt  }
0x64: {  	_ =	shalt  }
0x65: {  	_ =	shalt  }
0x66: {  	_ =	shalt  }
0x67: {  	_ =	shalt  }
0x68: {  	_ =	shalt  }
0x69: {  	_ =	shalt  }
0x6a: {  	_ =	shalt  }
0x6b: {  	_ =	shalt  }
0x6c: {  	_ =	shalt  }
0x6d: {  	_ =	shalt  }
0x6e: {  	_ =	shalt  }
0x6f: {  	_ =	shalt  }
0x70: {  	_ =	shalt  }
0x71: {  	_ =	shalt  }
0x72: {  	_ =	shalt  }
0x73: {  	_ =	shalt  }
0x74: {  	_ =	shalt  }
0x75: {  	_ =	shalt  }
0x76: {  	_ =	shalt  }
0x77: {  	_ =	shalt  }
0x78: {  	_ =	shalt  }
0x79: {  	_ =	shalt  }
0x7a: {  	_ =	shalt  }
0x7b: {  	_ =	shalt  }
0x7c: {  	_ =	shalt  }
0x7d: {  	_ =	shalt  }
0x7e: {  	_ =	shalt  }
0x7f: {  	_ =	shalt  }
0x80: {  	_ =	shalt  }
0x81: {  	_ =	shalt  }
0x82: {  	_ =	shalt  }
0x83: {  	_ =	shalt  }
0x84: {  	_ =	shalt  }
0x85: {  	_ =	shalt  }
0x86: {  	_ =	shalt  }
0x87: {  	_ =	shalt  }
.Lfunc_end0:
.L_simem_size_0:
called_computation_lowered:
.L_overlay_start_0:
0x88: {  	s2 =	sld [smem:$0x3FD9]  }
0x89: {  	s3 =	sld [smem:$0x3FFE];
	_ =	sdelay $0x1  }
0x8a: {  	s1 =	srdreg.scid  }
0x8b: {  	s0 =	sand.u32 $0x1, s1  }
0x8c: {  	s17 =	sshll.u32 s0, $0xA;
	s2 =	sadd.s32 s3, s2  }
0x8d: {  	s2 =	sadd.s32 s2, s17  }
0x8e: {  	[smem:$0x3FBD] =	sst s2  }
0x8f: {  	_ = 	snop  }
0x90: {  	s2 =	sld [smem:$0x3FC7];
	(tm) =	ssettm $0x1  }
0x91: {  	s18 =	sld [smem:$0x3FFB];
	_ =	sdelay $0x3  }
0x92: {  	_ =	strace s18  }
0x93: {  	s3 =	sld [smem:$0x3FFC];
	_ =	sdelay $0x3  }
0x94: {  	_ =	strace s3  }
0x95: {  	s3 =	sld [smem:$0x3FFD];
	_ =	sdelay $0x3  }
0x96: {  	_ =	strace s3  }
0x97: {  	_ =	strace $0x8FFFFFFF  }
0x98: {  	s19 =	sld [smem:$0x3FDB];
	_ =	sdelay $0x1  }
0x99: {  	s4 =	simm.s32 $_scs_section_size  }
0x9a: {  	s5 =	simm.s32 $_size__tile_overlayer_lowered;
	s6 =	simm.s32 $_tile_overlayer_lowered  }
0x9b: {  	s22 =	simm.s32 $0x1BFF;
	s21 =	sshll.u32 s6, $0x1;
	s3 =	sadd.s32 s4, s19  }
0x9c: {  	s7 =	simm.s32 $0x0;
	s20 =	sshll.u32 s5, $0x1;
	s5 =	sadd.s32 s21, s3  }
0x9d: {  	[timem:s7], [sflag:s22] =	dma.local [hbm:s5], s20  }
0x9e: {  	_ =	swait.ge [sflag:s22], s20  }
0x9f: {  	s4 =	ssub.s32 $0x0, s20;
	[sflag:s22] =	ssyncset.done $0x0  }
0xa0: {  	[sflag:s22] =	ssyncadd.s32 s4;
	_ =	sdelay $0x1  }
0xa1: {  	s23 =	simm.s32 $0x1B8B  }
0xa2: {  	_ =	swait.ge [sflag:s23], $0x1  }
0xa3: {  	[sflag:s23] =	ssyncset.done $0x0  }
0xa4: {  	s25 =	simm.s32 $0x1B8E;
	s24 =	sld [smem:$0x3FFE];
	[sflag:s23] =	ssyncadd.s32 $0xFFFFFFFF  }
0xa5: {  	s26 =	simm.s32 $execute0_lowered;
	[smem:$0x3FD2] =	sst s25  }
0xa6: {  	s5 =	sshll.u32 s26, $0x1;
	_ =	strace $0x80000046;
	[dreg:$0x1] =	wrdreg $0xFFFFFFFF  }
0xa7: {  	s28 =	simm.s32 $_size_execute0_lowered;
	s3 =	sadd.s32 s3, s5;
	[dreg:$0x0] =	wrdreg $0x0  }
0xa8: {  	s5 =	sshll.u32 s28, $0x1;
	[dreg:$0x2] =	wrdreg s3  }
0xa9: {  	[dreg:$0x3] =	wrdreg s5  }
0xaa: {  	[dreg:$0x4] =	wrdreg $0xC0  }
0xab: {  	_ =	task [dreg:s7], $0x5FFFF  }
0xac: {  	[dreg:$0x1] =	wrdreg $0xFFFFFFFF  }
0xad: {  	[dreg:$0x0] =	wrdreg $0x60  }
0xae: {  	[dreg:$0x2] =	wrdreg s2  }
0xaf: {  	[dreg:$0x3] =	wrdreg s24  }
0xb0: {  	[dreg:$0x4] =	wrdreg $0x9  }
0xb1: {  	_ =	task.clear_ibuf [dreg:s7], $0x5FFFF;
	_ =	strace $0x90000046  }
0xb2: {  	s29 =	simm.s32 $0x9;
	_ =	strace $0x80000048  }
0xb3: {  	_ =	swait.ge [sflag:s29], $0x1  }
0xb4: {  	[sflag:s29] =	ssyncadd.s32 $0xFFFFFFFF  }
0xb5: {  	_ =	strace $0x90000048  }
0xb6: {  	_ =	sfence  }
0xb7: {  	s30 =	sld [smem:$0x0];
	_ =	sdelay $0x2  }
0xb8: {  	s31 =	sshll.u32 s1, $0xD;
	s1 =	sshrl.u32 s1, $0x2  }
0xb9: {  	s3 =	sand.u32 $0x4000, s31;
	s1 =	sadd.s32 s1, s30  }
0xba: {  	s0 =	sor.u32 s3, s0;
	s1 =	sshll.u32 s1, $0x11  }
0xbb: {  	s0 =	sor.u32 s1, s0  }
0xbc: {  	s0 =	sadd.s32 $0x8F2B, s0  }
0xbd: {  	[sflag:s0] =	ssyncadd.remote.s32 $0x1  }
0xbe: {  	_ =	sfence.sel $0xFFFF  }
0xbf: {  	[dreg:$0x0] =	wrdreg $0xFFFFFFFF;
	(pc) =	sbr.abs _section_cstart, $3  }
0xc0: {  	[dreg:$0x1] =	wrdreg $0xFFFFFFFF  }
0xc1: {  	_ =	task.clear_ibuf [dreg:s7], $0x2FFFF;
	_ =	strace $0x9FFFFFFF  }
0xc2: {  	(tm) =	ssettm $0x7FFFFFFF  }
0xc3: {  	_ =	shalt  }
tec
execute0_lowered:
.L_overlay_start_1:
0x0: {  	(tag) =	ssettag $0x1  }
0x1: {  	s2 =	rddreg [dreg:$0x0]  }
0x2: {  	s4 =	rddreg [dreg:$0x1]  }
0x3: {  	s0 =	rddreg [dreg:$0x2]  }
0x4: {  	s3 =	srdreg.scid;
	s1 =	stileid.u32  }
0x5: {  	s9 =	simm.s32 $0x1900;
	s10 =	simm.s32 $0x1;
	s11 =	simm.s32 $0x0  }
0x6: {  	s5 =	sand.u32 $0x1, s3;
	s6 =	sshll.u32 s1, $0x1;
	s7 =	smul.u32 $0x190000, s1  }
0x7: {  	s3 =	simm.s32 $0x0;
	s6 =	sor.u32 s5, s6;
	s8 =	smul.u32 $0xC8000, s5  }
0x8: {  	[smem:$0x7FF] =	sst s3;
	s5 =	ssub.s32 $0x2, s5;
	s6 =	smul.u32 $0x320, s6  }
0x9: {  	_ =	strace $0x80000047;
	s31 =	sshrl.u32 s5, $0x1;
	s7 =	sadd.s32 s8, s7  }
0xa: {  	s5 =	ssub.s32 s5, s31;
	s8 =	simm.s32 $0x80;
	s7 =	sshrl.u32 s7, $0x3  }
0xb: {  	s6 =	sadd.s32 s6, s4;
	s5 =	smax.u32 s5, $0x1;
	s7 =	sadd.s32 s7, s4  }
0xc: {  	s4 =	sadd.s32 $0x1C00, s6;
	s6 =	sadd.s32 $0x8000, s7;
	s7 =	simm.s32 $0x2  }
.LBB2_1:
0xd: {  	[tilespmem:s3], [sflag:$0x2] =	stream.linear.gather [hbm4b:s4+s3], $0x1900, $0x38;
	[tilespmem:$0x5900] =	vst v63  }
0xe: {  	_ =	swait.ge [sflag:s7], $0x1900  }
0xf: {  	[sflag:s7] =	ssyncset.done $0x0  }
0x10: {  	s12 =	simm.s32 $0x0;
	[sflag:s7] =	ssyncadd.s32 $0xFFFFE700  }
0x11: {  	[tilespmem:s9], [sflag:$0x1] =	stream.indirect.gather [hbm4b:s2+s8], $0x80, s12, s8, $0xb8;
	[tilespmem:$0x5900] =	vst v63  }
0x12: {  	_ =	swait.ge [sflag:s10], $0x4000  }
0x13: {  	[sflag:s10] =	ssyncset.done $0x0  }
0x14: {  	[sflag:s10] =	ssyncadd.s32 $0xFFFFC000  }
0x15: {  	[hbm4b:s6+s3] =	stream.linear.scatter [tilespmem:s9], [sflag:$0x2], $0x4000, $0x38;
	[tilespmem:$0x5900] =	vst v63  }
0x16: {  	s13 =	simm.s32 $0x200;
	_ =	swait.ge [sflag:s7], $0x4000  }
0x17: {  	s14 =	simm.s32 $0x400;
	s12 =	sadd.s32 $0x800, s6;
	[sflag:s7] =	ssyncset.done $0x0  }
.LBB2_2:
0x18: {  	s15 =	sshra.s32 s13, $0x2  }
0x19: {  	[sflag:s7] =	ssyncadd.s32 $0xFFFFC000;
	s13 =	smov.u32 s14;
	s16 =	sadd.s32 $0x200, s14  }
0x1a: {  	[tilespmem:s9], [sflag:$0x1] =	stream.indirect.gather [hbm4b:s2+s8], $0x80, s15, s8, $0xb8;
	[tilespmem:$0x5900] =	vst v63  }
0x1b: {  	p0 =	sne.s32 s14, $0x6200;
	_ =	swait.ge [sflag:s10], $0x4000  }
.Ltmp0:
0x1c: {  	[sflag:s10] =	ssyncset.done $0x0;
	(pc) =	sbr.rel @p0 .LBB2_2-.Ltmp0, $4  }
0x1d: {  	[sflag:s10] =	ssyncadd.s32 $0xFFFFC000  }
0x1e: {  	[hbm4b:s12+s3] =	stream.linear.scatter [tilespmem:s9], [sflag:$0x2], $0x4000, $0x38;
	[tilespmem:$0x5900] =	vst v63  }
0x1f: {  	_ =	swait.ge [sflag:s7], $0x4000  }
0x20: {  	s14 =	smov.u32 s16;
	s12 =	sadd.s32 $0x800, s12;
	[sflag:s7] =	ssyncset.done $0x0  }
0x21: {  	s13 =	sshra.s32 s13, $0x2;
	[sflag:s7] =	ssyncadd.s32 $0xFFFFC000  }
0x22: {  	[tilespmem:s9], [sflag:$0x1] =	stream.indirect.gather [hbm4b:s2+s8], $0x80, s13, s8, $0xb8;
	[tilespmem:$0x5900] =	vst v63  }
0x23: {  	s11 =	sadd.s32 $0x1, s11;
	_ =	swait.ge [sflag:s10], $0x4000  }
0x24: {  	p0 =	sne.s32 s11, s5;
	[sflag:s10] =	ssyncset.done $0x0  }
.Ltmp1:
0x25: {  	[sflag:s10] =	ssyncadd.s32 $0xFFFFC000;
	(pc) =	sbr.rel @p0 .LBB2_1-.Ltmp1, $4  }
0x26: {  	[hbm4b:s12+s3] =	stream.linear.scatter [tilespmem:s9], [sflag:$0x2], $0x4000, $0x38;
	[tilespmem:$0x5900] =	vst v63  }
0x27: {  	_ =	swait.ge [sflag:s7], $0x4000  }
0x28: {  	[sflag:s7] =	ssyncset.done $0x0  }
0x29: {  	[sflag:s7] =	ssyncadd.s32 $0xFFFFC000  }
0x2a: {  	_ =	sfence.sel $0x180000  }
0x2b: {  	[bflag:$0x0] =	sbarrier.arrive $0xFFFF  }
0x2c: {  	p0 =	sne.s32 s1, $0x0;
	_ =	strace $0x90000047  }
0x2d: {  	s0 =	sadd.s32 @!p0 $0x100000, s0;
	[bflag:$0x2] =	sbarrier.arrive $0xFFFF  }
0x2e: {  	[sflag:s0] =	ssyncadd.tile.s32 @!p0 $0x1;
	_ =	shalt  }
.Lfunc_end2:
_tile_overlayer_lowered:
.L_overlay_start_2:
0x2f: {  	(tag) =	ssettag $0x2  }
0x30: {  	s0 =	rddreg [dreg:$0x0];
	s2 =	stileid.u32  }
0x31: {  	s1 =	rddreg [dreg:$0x1];
	p0 =	sne.s32 s2, $0x0  }
0x32: {  	s3 =	rddreg [dreg:$0x2];
	[bflag:$0x3] =	sbarrier.arrive $0xFFFF;
	s2 =	simm.s32 @!p0 $0x1C02  }
0x33: {  	[timem:s3], [sflag:s2] =	dma.local @!p0 [hbm:s0], s1  }
0x34: {  	s0 =	simm.s32 @!p0 $0x2  }
0x35: {  	_ =	swait.ge @!p0 [sflag:s0], s1  }
0x36: {  	s1 =	ssub.s32 @!p0 $0x0, s1;
	[sflag:s0] =	ssyncset.done @!p0 $0x0  }
0x37: {  	[sflag:s0] =	ssyncadd.s32 @!p0 s1  }
0x38: {  	[bflag:$0x3] =	sbarrier.arrive $0xFFFF  }
0x39: {  	_ =	shalt  }

</sc_bundles>
